<compile_context>
chip_gen: v7x
topology: tpu7x:2x2x1
jax: 0.10.2.dev20260603
libtpu: 0.0.44.dev20260713+nightly
codegen_flags: <defaults>
</compile_context>

<pallas_src>
import functools

import jax
import jax.numpy as jnp
from jax import lax
from jax.experimental import pallas as pl
from jax.experimental.pallas import tpu as pltpu
from jax.experimental.pallas import tpu_sc as plsc

_INFO = plsc.get_sparse_core_info()
_NC = _INFO.num_cores
_NS = _INFO.num_subcores
_NW = _NC * _NS
_PR = 1000
_NP = 10


def _tc_copy_body(x_ref, xo_ref):
    xo_ref[...] = x_ref[...]


def _sc_copy_body(ea_hbm, out_hbm, b0, b1, s0, s1, t0, t1):
    wid = lax.axis_index("s") * _NC + lax.axis_index("c")
    rows_per_w = _PR * _NP
    base = wid * rows_per_w
    bufs = (b0, b1)
    sin = (s0, s1)
    sout = (t0, t1)

    def start_in(p):
        return pltpu.async_copy(
            ea_hbm.at[pl.ds(base + p * _PR, _PR)], bufs[p % 2], sin[p % 2])

    def start_out(p):
        return pltpu.async_copy(
            bufs[p % 2], out_hbm.at[pl.ds(base + p * _PR, _PR)], sout[p % 2])

    d_in = [None] * _NP
    d_out = [None] * _NP
    d_in[0] = start_in(0)
    for p in range(_NP):
        if p + 1 < _NP:
            if p - 1 >= 0:
                d_out[p - 1].wait()
            d_in[p + 1] = start_in(p + 1)
        d_in[p].wait()
        d_out[p] = start_out(p)
    d_out[_NP - 2].wait()
    d_out[_NP - 1].wait()


def kernel(x, x_lstm, encoded_z_gnss, edge_index, edge_attr,
           node_indexes_related_to_agent, edge_indexes_related_to_agent):
    N, DF = x.shape
    E, DE = edge_attr.shape

    G = 5
    xn = pl.pallas_call(
        _tc_copy_body,
        grid=(G,),
        in_specs=[pl.BlockSpec((N // G, DF), lambda i: (i, 0))],
        out_specs=pl.BlockSpec((N // G, DF), lambda i: (i, 0)),
        out_shape=jax.ShapeDtypeStruct((N, DF), x.dtype),
    )(x)

    sc_copy = functools.partial(
        pl.kernel,
        out_type=jax.ShapeDtypeStruct((E, DE), edge_attr.dtype),
        mesh=plsc.VectorSubcoreMesh(
            core_axis_name="c", subcore_axis_name="s"),
        scratch_types=[
            pltpu.VMEM((_PR, DE), jnp.float32),
            pltpu.VMEM((_PR, DE), jnp.float32),
            pltpu.SemaphoreType.DMA,
            pltpu.SemaphoreType.DMA,
            pltpu.SemaphoreType.DMA,
            pltpu.SemaphoreType.DMA,
        ],
        compiler_params=pltpu.CompilerParams(use_tc_tiling_on_sc=False),
    )(_sc_copy_body)
    ean = sc_copy(edge_attr)
    return (xn, ean)

# --- scband reference (transcript-rebuilt; emitter-appended) ---
"""Pipeline reference for scband-meta-layer-bp-single-50242527429375 (READ-ONLY COPY).

The authoritative reference and input builder live on the scoring server;
editing this copy changes nothing except your own understanding.
"""

import jax, jax.numpy as jnp
import numpy as np


def setup_inputs(seed: int = 0) -> dict:
    key = jax.random.key(seed)
    k_x, k_lstm, k_gnss, k_ei, k_ea, k_ni, k_eiagent = jax.random.split(key, 7)
    N = 10000
    E = 320000
    D_FEAT = 128
    D_EDGE = 16
    x = jax.random.normal(k_x, (N, D_FEAT), dtype=jnp.float32)
    x_lstm = jax.random.normal(k_lstm, (N, D_FEAT), dtype=jnp.float32)
    encoded_z_gnss = jax.random.normal(k_gnss, (N, D_FEAT), dtype=jnp.float32)
    edge_index = jax.random.randint(k_ei, (2, E), 0, N, dtype=jnp.int64)
    edge_attr = jax.random.normal(k_ea, (E, D_EDGE), dtype=jnp.float32)
    node_indexes_related_to_agent = jax.random.randint(k_ni, (1000,), 0, N, dtype=jnp.int64)
    edge_indexes_related_to_agent = jax.random.randint(k_eiagent, (5000,), 0, E, dtype=jnp.int64)
    return {
        "x": x,
        "x_lstm": x_lstm,
        "encoded_z_gnss": encoded_z_gnss,
        "edge_index": edge_index,
        "edge_attr": edge_attr,
        "node_indexes_related_to_agent": node_indexes_related_to_agent,
        "edge_indexes_related_to_agent": edge_indexes_related_to_agent,
    }


def reference(x, x_lstm, encoded_z_gnss, edge_index, edge_attr,
              node_indexes_related_to_agent, edge_indexes_related_to_agent):
    # Faithful translation of MetaLayerBP_single.forward with
    # edge_model=None and node_model=None (the only configuration
    # expressible through JSON init kwargs, since both are callables).
    row, col = edge_index[0], edge_index[1]
    # edge_model is None -> edge_attr unchanged
    # node_model is None -> x unchanged
    return (x, edge_attr)

if __name__ == "__main__":
    import jax
    _d = setup_inputs()
    print(jax.jit(kernel)(*tuple(_d.values())))

</pallas_src>

<mosaic_0001>
#map = affine_map<(d0, d1) -> (0, 0)>
module attributes {stable_mosaic.version = 14 : i64} {
  func.func @_sc_copy_body(%arg0: i32, %arg1: i32, %arg2: memref<320000x16xf32, #tpu.memory_space<hbm>>, %arg3: memref<320000x16xf32, #tpu.memory_space<hbm>>, %arg4: memref<1000x16xf32, #tpu.memory_space<vmem>>, %arg5: memref<1000x16xf32, #tpu.memory_space<vmem>>, %arg6: memref<!tpu.dma_semaphore, #tpu.memory_space<semaphore_mem>>, %arg7: memref<!tpu.dma_semaphore, #tpu.memory_space<semaphore_mem>>, %arg8: memref<!tpu.dma_semaphore, #tpu.memory_space<semaphore_mem>>, %arg9: memref<!tpu.dma_semaphore, #tpu.memory_space<semaphore_mem>>) attributes {dimension_semantics = [#tpu.dimension_semantics<core_parallel>, #tpu.dimension_semantics<subcore_parallel>], iteration_bounds = array<i64: 2, 16>, scalar_prefetch = 0 : i64, scratch_operands = 6 : i64, tpu.core_type = #tpu.core_type<sc_vector_subcore>, window_params = [{transform_indices = #map}, {transform_indices = #map}]} {
    %mul3A = arith.constant 2 : i32
    %mul3A_0 = arith.muli %arg1, %mul3A : i32
    %add3A = arith.addi %mul3A_0, %arg0 : i32
    %mul3A_1 = arith.constant 10000 : i32
    %mul3A_2 = arith.muli %add3A, %mul3A_1 : i32
    %add3A_3 = arith.constant 0 : i32
    %add3A_4 = arith.addi %mul3A_2, %add3A_3 : i32
    %dma_start3A = arith.constant 0 : i32
    %dma_start3A_5 = tpu.memref_slice %arg2[%add3A_4, %dma_start3A] : memref<320000x16xf32, #tpu.memory_space<hbm>> -> memref<1000x16xf32, #tpu.memory_space<hbm>>
    %dma_start3A_6 = arith.constant 0 : i32
    %dma_start3A_7 = tpu.memref_slice %arg2[%add3A_4, %dma_start3A_6] : memref<320000x16xf32, #tpu.memory_space<hbm>> -> memref<1000x16xf32, #tpu.memory_space<hbm>>
    tpu.enqueue_dma source(%dma_start3A_7 : memref<1000x16xf32, #tpu.memory_space<hbm>>) target(%arg4 : memref<1000x16xf32, #tpu.memory_space<vmem>>) target_semaphore(%arg6 : memref<!tpu.dma_semaphore, #tpu.memory_space<semaphore_mem>>)
    %add3A_8 = arith.constant 1000 : i32
    %add3A_9 = arith.addi %mul3A_2, %add3A_8 : i32
    %dma_start3A_10 = arith.constant 0 : i32
    %dma_start3A_11 = tpu.memref_slice %arg2[%add3A_9, %dma_start3A_10] : memref<320000x16xf32, #tpu.memory_space<hbm>> -> memref<1000x16xf32, #tpu.memory_space<hbm>>
    %dma_start3A_12 = arith.constant 0 : i32
    %dma_start3A_13 = tpu.memref_slice %arg2[%add3A_9, %dma_start3A_12] : memref<320000x16xf32, #tpu.memory_space<hbm>> -> memref<1000x16xf32, #tpu.memory_space<hbm>>
    tpu.enqueue_dma source(%dma_start3A_13 : memref<1000x16xf32, #tpu.memory_space<hbm>>) target(%arg5 : memref<1000x16xf32, #tpu.memory_space<vmem>>) target_semaphore(%arg7 : memref<!tpu.dma_semaphore, #tpu.memory_space<semaphore_mem>>)
    %dma_wait3A = arith.constant 0 : i32
    %dma_wait3A_14 = tpu.memref_slice %arg2[%add3A_4, %dma_wait3A] : memref<320000x16xf32, #tpu.memory_space<hbm>> -> memref<1000x16xf32, #tpu.memory_space<hbm>>
    %dma_wait3A_15 = arith.constant 0 : i32
    %dma_wait3A_16 = tpu.memref_slice %arg2[%add3A_4, %dma_wait3A_15] : memref<320000x16xf32, #tpu.memory_space<hbm>> -> memref<1000x16xf32, #tpu.memory_space<hbm>>
    tpu.wait_dma2 semaphore(%arg6 : memref<!tpu.dma_semaphore, #tpu.memory_space<semaphore_mem>>) src(%dma_wait3A_16 : memref<1000x16xf32, #tpu.memory_space<hbm>>) dst(%arg4 : memref<1000x16xf32, #tpu.memory_space<vmem>>)
    %add3A_17 = arith.constant 0 : i32
    %add3A_18 = arith.addi %mul3A_2, %add3A_17 : i32
    %dma_start3A_19 = arith.constant 0 : i32
    %dma_start3A_20 = tpu.memref_slice %arg3[%add3A_18, %dma_start3A_19] : memref<320000x16xf32, #tpu.memory_space<hbm>> -> memref<1000x16xf32, #tpu.memory_space<hbm>>
    %dma_start3A_21 = arith.constant 0 : i32
    %dma_start3A_22 = tpu.memref_slice %arg3[%add3A_18, %dma_start3A_21] : memref<320000x16xf32, #tpu.memory_space<hbm>> -> memref<1000x16xf32, #tpu.memory_space<hbm>>
    tpu.enqueue_dma source(%arg4 : memref<1000x16xf32, #tpu.memory_space<vmem>>) target(%dma_start3A_22 : memref<1000x16xf32, #tpu.memory_space<hbm>>) target_semaphore(%arg8 : memref<!tpu.dma_semaphore, #tpu.memory_space<semaphore_mem>>)
    %dma_wait3A_23 = arith.constant 0 : i32
    %dma_wait3A_24 = tpu.memref_slice %arg3[%add3A_18, %dma_wait3A_23] : memref<320000x16xf32, #tpu.memory_space<hbm>> -> memref<1000x16xf32, #tpu.memory_space<hbm>>
    %dma_wait3A_25 = arith.constant 0 : i32
    %dma_wait3A_26 = tpu.memref_slice %arg3[%add3A_18, %dma_wait3A_25] : memref<320000x16xf32, #tpu.memory_space<hbm>> -> memref<1000x16xf32, #tpu.memory_space<hbm>>
    tpu.wait_dma2 semaphore(%arg8 : memref<!tpu.dma_semaphore, #tpu.memory_space<semaphore_mem>>) src(%arg4 : memref<1000x16xf32, #tpu.memory_space<vmem>>) dst(%dma_wait3A_26 : memref<1000x16xf32, #tpu.memory_space<hbm>>)
    %add3A_27 = arith.constant 2000 : i32
    %add3A_28 = arith.addi %mul3A_2, %add3A_27 : i32
    %dma_start3A_29 = arith.constant 0 : i32
    %dma_start3A_30 = tpu.memref_slice %arg2[%add3A_28, %dma_start3A_29] : memref<320000x16xf32, #tpu.memory_space<hbm>> -> memref<1000x16xf32, #tpu.memory_space<hbm>>
    %dma_start3A_31 = arith.constant 0 : i32
    %dma_start3A_32 = tpu.memref_slice %arg2[%add3A_28, %dma_start3A_31] : memref<320000x16xf32, #tpu.memory_space<hbm>> -> memref<1000x16xf32, #tpu.memory_space<hbm>>
    tpu.enqueue_dma source(%dma_start3A_32 : memref<1000x16xf32, #tpu.memory_space<hbm>>) target(%arg4 : memref<1000x16xf32, #tpu.memory_space<vmem>>) target_semaphore(%arg6 : memref<!tpu.dma_semaphore, #tpu.memory_space<semaphore_mem>>)
    %dma_wait3A_33 = arith.constant 0 : i32
    %dma_wait3A_34 = tpu.memref_slice %arg2[%add3A_9, %dma_wait3A_33] : memref<320000x16xf32, #tpu.memory_space<hbm>> -> memref<1000x16xf32, #tpu.memory_space<hbm>>
    %dma_wait3A_35 = arith.constant 0 : i32
    %dma_wait3A_36 = tpu.memref_slice %arg2[%add3A_9, %dma_wait3A_35] : memref<320000x16xf32, #tpu.memory_space<hbm>> -> memref<1000x16xf32, #tpu.memory_space<hbm>>
    tpu.wait_dma2 semaphore(%arg7 : memref<!tpu.dma_semaphore, #tpu.memory_space<semaphore_mem>>) src(%dma_wait3A_36 : memref<1000x16xf32, #tpu.memory_space<hbm>>) dst(%arg5 : memref<1000x16xf32, #tpu.memory_space<vmem>>)
    %add3A_37 = arith.constant 1000 : i32
    %add3A_38 = arith.addi %mul3A_2, %add3A_37 : i32
    %dma_start3A_39 = arith.constant 0 : i32
    %dma_start3A_40 = tpu.memref_slice %arg3[%add3A_38, %dma_start3A_39] : memref<320000x16xf32, #tpu.memory_space<hbm>> -> memref<1000x16xf32, #tpu.memory_space<hbm>>
    %dma_start3A_41 = arith.constant 0 : i32
    %dma_start3A_42 = tpu.memref_slice %arg3[%add3A_38, %dma_start3A_41] : memref<320000x16xf32, #tpu.memory_space<hbm>> -> memref<1000x16xf32, #tpu.memory_space<hbm>>
    tpu.enqueue_dma source(%arg5 : memref<1000x16xf32, #tpu.memory_space<vmem>>) target(%dma_start3A_42 : memref<1000x16xf32, #tpu.memory_space<hbm>>) target_semaphore(%arg9 : memref<!tpu.dma_semaphore, #tpu.memory_space<semaphore_mem>>)
    %dma_wait3A_43 = arith.constant 0 : i32
    %dma_wait3A_44 = tpu.memref_slice %arg3[%add3A_38, %dma_wait3A_43] : memref<320000x16xf32, #tpu.memory_space<hbm>> -> memref<1000x16xf32, #tpu.memory_space<hbm>>
    %dma_wait3A_45 = arith.constant 0 : i32
    %dma_wait3A_46 = tpu.memref_slice %arg3[%add3A_38, %dma_wait3A_45] : memref<320000x16xf32, #tpu.memory_space<hbm>> -> memref<1000x16xf32, #tpu.memory_space<hbm>>
    tpu.wait_dma2 semaphore(%arg9 : memref<!tpu.dma_semaphore, #tpu.memory_space<semaphore_mem>>) src(%arg5 : memref<1000x16xf32, #tpu.memory_space<vmem>>) dst(%dma_wait3A_46 : memref<1000x16xf32, #tpu.memory_space<hbm>>)
    %add3A_47 = arith.constant 3000 : i32
    %add3A_48 = arith.addi %mul3A_2, %add3A_47 : i32
    %dma_start3A_49 = arith.constant 0 : i32
    %dma_start3A_50 = tpu.memref_slice %arg2[%add3A_48, %dma_start3A_49] : memref<320000x16xf32, #tpu.memory_space<hbm>> -> memref<1000x16xf32, #tpu.memory_space<hbm>>
    %dma_start3A_51 = arith.constant 0 : i32
    %dma_start3A_52 = tpu.memref_slice %arg2[%add3A_48, %dma_start3A_51] : memref<320000x16xf32, #tpu.memory_space<hbm>> -> memref<1000x16xf32, #tpu.memory_space<hbm>>
    tpu.enqueue_dma source(%dma_start3A_52 : memref<1000x16xf32, #tpu.memory_space<hbm>>) target(%arg5 : memref<1000x16xf32, #tpu.memory_space<vmem>>) target_semaphore(%arg7 : memref<!tpu.dma_semaphore, #tpu.memory_space<semaphore_mem>>)
    %dma_wait3A_53 = arith.constant 0 : i32
    %dma_wait3A_54 = tpu.memref_slice %arg2[%add3A_28, %dma_wait3A_53] : memref<320000x16xf32, #tpu.memory_space<hbm>> -> memref<1000x16xf32, #tpu.memory_space<hbm>>
    %dma_wait3A_55 = arith.constant 0 : i32
    %dma_wait3A_56 = tpu.memref_slice %arg2[%add3A_28, %dma_wait3A_55] : memref<320000x16xf32, #tpu.memory_space<hbm>> -> memref<1000x16xf32, #tpu.memory_space<hbm>>
    tpu.wait_dma2 semaphore(%arg6 : memref<!tpu.dma_semaphore, #tpu.memory_space<semaphore_mem>>) src(%dma_wait3A_56 : memref<1000x16xf32, #tpu.memory_space<hbm>>) dst(%arg4 : memref<1000x16xf32, #tpu.memory_space<vmem>>)
    %add3A_57 = arith.constant 2000 : i32
    %add3A_58 = arith.addi %mul3A_2, %add3A_57 : i32
    %dma_start3A_59 = arith.constant 0 : i32
    %dma_start3A_60 = tpu.memref_slice %arg3[%add3A_58, %dma_start3A_59] : memref<320000x16xf32, #tpu.memory_space<hbm>> -> memref<1000x16xf32, #tpu.memory_space<hbm>>
    %dma_start3A_61 = arith.constant 0 : i32
    %dma_start3A_62 = tpu.memref_slice %arg3[%add3A_58, %dma_start3A_61] : memref<320000x16xf32, #tpu.memory_space<hbm>> -> memref<1000x16xf32, #tpu.memory_space<hbm>>
    tpu.enqueue_dma source(%arg4 : memref<1000x16xf32, #tpu.memory_space<vmem>>) target(%dma_start3A_62 : memref<1000x16xf32, #tpu.memory_space<hbm>>) target_semaphore(%arg8 : memref<!tpu.dma_semaphore, #tpu.memory_space<semaphore_mem>>)
    %dma_wait3A_63 = arith.constant 0 : i32
    %dma_wait3A_64 = tpu.memref_slice %arg3[%add3A_58, %dma_wait3A_63] : memref<320000x16xf32, #tpu.memory_space<hbm>> -> memref<1000x16xf32, #tpu.memory_space<hbm>>
    %dma_wait3A_65 = arith.constant 0 : i32
    %dma_wait3A_66 = tpu.memref_slice %arg3[%add3A_58, %dma_wait3A_65] : memref<320000x16xf32, #tpu.memory_space<hbm>> -> memref<1000x16xf32, #tpu.memory_space<hbm>>
    tpu.wait_dma2 semaphore(%arg8 : memref<!tpu.dma_semaphore, #tpu.memory_space<semaphore_mem>>) src(%arg4 : memref<1000x16xf32, #tpu.memory_space<vmem>>) dst(%dma_wait3A_66 : memref<1000x16xf32, #tpu.memory_space<hbm>>)
    %add3A_67 = arith.constant 4000 : i32
    %add3A_68 = arith.addi %mul3A_2, %add3A_67 : i32
    %dma_start3A_69 = arith.constant 0 : i32
    %dma_start3A_70 = tpu.memref_slice %arg2[%add3A_68, %dma_start3A_69] : memref<320000x16xf32, #tpu.memory_space<hbm>> -> memref<1000x16xf32, #tpu.memory_space<hbm>>
    %dma_start3A_71 = arith.constant 0 : i32
    %dma_start3A_72 = tpu.memref_slice %arg2[%add3A_68, %dma_start3A_71] : memref<320000x16xf32, #tpu.memory_space<hbm>> -> memref<1000x16xf32, #tpu.memory_space<hbm>>
    tpu.enqueue_dma source(%dma_start3A_72 : memref<1000x16xf32, #tpu.memory_space<hbm>>) target(%arg4 : memref<1000x16xf32, #tpu.memory_space<vmem>>) target_semaphore(%arg6 : memref<!tpu.dma_semaphore, #tpu.memory_space<semaphore_mem>>)
    %dma_wait3A_73 = arith.constant 0 : i32
    %dma_wait3A_74 = tpu.memref_slice %arg2[%add3A_48, %dma_wait3A_73] : memref<320000x16xf32, #tpu.memory_space<hbm>> -> memref<1000x16xf32, #tpu.memory_space<hbm>>
    %dma_wait3A_75 = arith.constant 0 : i32
    %dma_wait3A_76 = tpu.memref_slice %arg2[%add3A_48, %dma_wait3A_75] : memref<320000x16xf32, #tpu.memory_space<hbm>> -> memref<1000x16xf32, #tpu.memory_space<hbm>>
    tpu.wait_dma2 semaphore(%arg7 : memref<!tpu.dma_semaphore, #tpu.memory_space<semaphore_mem>>) src(%dma_wait3A_76 : memref<1000x16xf32, #tpu.memory_space<hbm>>) dst(%arg5 : memref<1000x16xf32, #tpu.memory_space<vmem>>)
    %add3A_77 = arith.constant 3000 : i32
    %add3A_78 = arith.addi %mul3A_2, %add3A_77 : i32
    %dma_start3A_79 = arith.constant 0 : i32
    %dma_start3A_80 = tpu.memref_slice %arg3[%add3A_78, %dma_start3A_79] : memref<320000x16xf32, #tpu.memory_space<hbm>> -> memref<1000x16xf32, #tpu.memory_space<hbm>>
    %dma_start3A_81 = arith.constant 0 : i32
    %dma_start3A_82 = tpu.memref_slice %arg3[%add3A_78, %dma_start3A_81] : memref<320000x16xf32, #tpu.memory_space<hbm>> -> memref<1000x16xf32, #tpu.memory_space<hbm>>
    tpu.enqueue_dma source(%arg5 : memref<1000x16xf32, #tpu.memory_space<vmem>>) target(%dma_start3A_82 : memref<1000x16xf32, #tpu.memory_space<hbm>>) target_semaphore(%arg9 : memref<!tpu.dma_semaphore, #tpu.memory_space<semaphore_mem>>)
    %dma_wait3A_83 = arith.constant 0 : i32
    %dma_wait3A_84 = tpu.memref_slice %arg3[%add3A_78, %dma_wait3A_83] : memref<320000x16xf32, #tpu.memory_space<hbm>> -> memref<1000x16xf32, #tpu.memory_space<hbm>>
    %dma_wait3A_85 = arith.constant 0 : i32
    %dma_wait3A_86 = tpu.memref_slice %arg3[%add3A_78, %dma_wait3A_85] : memref<320000x16xf32, #tpu.memory_space<hbm>> -> memref<1000x16xf32, #tpu.memory_space<hbm>>
    tpu.wait_dma2 semaphore(%arg9 : memref<!tpu.dma_semaphore, #tpu.memory_space<semaphore_mem>>) src(%arg5 : memref<1000x16xf32, #tpu.memory_space<vmem>>) dst(%dma_wait3A_86 : memref<1000x16xf32, #tpu.memory_space<hbm>>)
    %add3A_87 = arith.constant 5000 : i32
    %add3A_88 = arith.addi %mul3A_2, %add3A_87 : i32
    %dma_start3A_89 = arith.constant 0 : i32
    %dma_start3A_90 = tpu.memref_slice %arg2[%add3A_88, %dma_start3A_89] : memref<320000x16xf32, #tpu.memory_space<hbm>> -> memref<1000x16xf32, #tpu.memory_space<hbm>>
    %dma_start3A_91 = arith.constant 0 : i32
    %dma_start3A_92 = tpu.memref_slice %arg2[%add3A_88, %dma_start3A_91] : memref<320000x16xf32, #tpu.memory_space<hbm>> -> memref<1000x16xf32, #tpu.memory_space<hbm>>
    tpu.enqueue_dma source(%dma_start3A_92 : memref<1000x16xf32, #tpu.memory_space<hbm>>) target(%arg5 : memref<1000x16xf32, #tpu.memory_space<vmem>>) target_semaphore(%arg7 : memref<!tpu.dma_semaphore, #tpu.memory_space<semaphore_mem>>)
    %dma_wait3A_93 = arith.constant 0 : i32
    %dma_wait3A_94 = tpu.memref_slice %arg2[%add3A_68, %dma_wait3A_93] : memref<320000x16xf32, #tpu.memory_space<hbm>> -> memref<1000x16xf32, #tpu.memory_space<hbm>>
    %dma_wait3A_95 = arith.constant 0 : i32
    %dma_wait3A_96 = tpu.memref_slice %arg2[%add3A_68, %dma_wait3A_95] : memref<320000x16xf32, #tpu.memory_space<hbm>> -> memref<1000x16xf32, #tpu.memory_space<hbm>>
    tpu.wait_dma2 semaphore(%arg6 : memref<!tpu.dma_semaphore, #tpu.memory_space<semaphore_mem>>) src(%dma_wait3A_96 : memref<1000x16xf32, #tpu.memory_space<hbm>>) dst(%arg4 : memref<1000x16xf32, #tpu.memory_space<vmem>>)
    %add3A_97 = arith.constant 4000 : i32
    %add3A_98 = arith.addi %mul3A_2, %add3A_97 : i32
    %dma_start3A_99 = arith.constant 0 : i32
    %dma_start3A_100 = tpu.memref_slice %arg3[%add3A_98, %dma_start3A_99] : memref<320000x16xf32, #tpu.memory_space<hbm>> -> memref<1000x16xf32, #tpu.memory_space<hbm>>
    %dma_start3A_101 = arith.constant 0 : i32
    %dma_start3A_102 = tpu.memref_slice %arg3[%add3A_98, %dma_start3A_101] : memref<320000x16xf32, #tpu.memory_space<hbm>> -> memref<1000x16xf32, #tpu.memory_space<hbm>>
    tpu.enqueue_dma source(%arg4 : memref<1000x16xf32, #tpu.memory_space<vmem>>) target(%dma_start3A_102 : memref<1000x16xf32, #tpu.memory_space<hbm>>) target_semaphore(%arg8 : memref<!tpu.dma_semaphore, #tpu.memory_space<semaphore_mem>>)
    %dma_wait3A_103 = arith.constant 0 : i32
    %dma_wait3A_104 = tpu.memref_slice %arg3[%add3A_98, %dma_wait3A_103] : memref<320000x16xf32, #tpu.memory_space<hbm>> -> memref<1000x16xf32, #tpu.memory_space<hbm>>
    %dma_wait3A_105 = arith.constant 0 : i32
    %dma_wait3A_106 = tpu.memref_slice %arg3[%add3A_98, %dma_wait3A_105] : memref<320000x16xf32, #tpu.memory_space<hbm>> -> memref<1000x16xf32, #tpu.memory_space<hbm>>
    tpu.wait_dma2 semaphore(%arg8 : memref<!tpu.dma_semaphore, #tpu.memory_space<semaphore_mem>>) src(%arg4 : memref<1000x16xf32, #tpu.memory_space<vmem>>) dst(%dma_wait3A_106 : memref<1000x16xf32, #tpu.memory_space<hbm>>)
    %add3A_107 = arith.constant 6000 : i32
    %add3A_108 = arith.addi %mul3A_2, %add3A_107 : i32
    %dma_start3A_109 = arith.constant 0 : i32
    %dma_start3A_110 = tpu.memref_slice %arg2[%add3A_108, %dma_start3A_109] : memref<320000x16xf32, #tpu.memory_space<hbm>> -> memref<1000x16xf32, #tpu.memory_space<hbm>>
    %dma_start3A_111 = arith.constant 0 : i32
    %dma_start3A_112 = tpu.memref_slice %arg2[%add3A_108, %dma_start3A_111] : memref<320000x16xf32, #tpu.memory_space<hbm>> -> memref<1000x16xf32, #tpu.memory_space<hbm>>
    tpu.enqueue_dma source(%dma_start3A_112 : memref<1000x16xf32, #tpu.memory_space<hbm>>) target(%arg4 : memref<1000x16xf32, #tpu.memory_space<vmem>>) target_semaphore(%arg6 : memref<!tpu.dma_semaphore, #tpu.memory_space<semaphore_mem>>)
    %dma_wait3A_113 = arith.constant 0 : i32
    %dma_wait3A_114 = tpu.memref_slice %arg2[%add3A_88, %dma_wait3A_113] : memref<320000x16xf32, #tpu.memory_space<hbm>> -> memref<1000x16xf32, #tpu.memory_space<hbm>>
    %dma_wait3A_115 = arith.constant 0 : i32
    %dma_wait3A_116 = tpu.memref_slice %arg2[%add3A_88, %dma_wait3A_115] : memref<320000x16xf32, #tpu.memory_space<hbm>> -> memref<1000x16xf32, #tpu.memory_space<hbm>>
    tpu.wait_dma2 semaphore(%arg7 : memref<!tpu.dma_semaphore, #tpu.memory_space<semaphore_mem>>) src(%dma_wait3A_116 : memref<1000x16xf32, #tpu.memory_space<hbm>>) dst(%arg5 : memref<1000x16xf32, #tpu.memory_space<vmem>>)
    %add3A_117 = arith.constant 5000 : i32
    %add3A_118 = arith.addi %mul3A_2, %add3A_117 : i32
    %dma_start3A_119 = arith.constant 0 : i32
    %dma_start3A_120 = tpu.memref_slice %arg3[%add3A_118, %dma_start3A_119] : memref<320000x16xf32, #tpu.memory_space<hbm>> -> memref<1000x16xf32, #tpu.memory_space<hbm>>
    %dma_start3A_121 = arith.constant 0 : i32
    %dma_start3A_122 = tpu.memref_slice %arg3[%add3A_118, %dma_start3A_121] : memref<320000x16xf32, #tpu.memory_space<hbm>> -> memref<1000x16xf32, #tpu.memory_space<hbm>>
    tpu.enqueue_dma source(%arg5 : memref<1000x16xf32, #tpu.memory_space<vmem>>) target(%dma_start3A_122 : memref<1000x16xf32, #tpu.memory_space<hbm>>) target_semaphore(%arg9 : memref<!tpu.dma_semaphore, #tpu.memory_space<semaphore_mem>>)
    %dma_wait3A_123 = arith.constant 0 : i32
    %dma_wait3A_124 = tpu.memref_slice %arg3[%add3A_118, %dma_wait3A_123] : memref<320000x16xf32, #tpu.memory_space<hbm>> -> memref<1000x16xf32, #tpu.memory_space<hbm>>
    %dma_wait3A_125 = arith.constant 0 : i32
    %dma_wait3A_126 = tpu.memref_slice %arg3[%add3A_118, %dma_wait3A_125] : memref<320000x16xf32, #tpu.memory_space<hbm>> -> memref<1000x16xf32, #tpu.memory_space<hbm>>
    tpu.wait_dma2 semaphore(%arg9 : memref<!tpu.dma_semaphore, #tpu.memory_space<semaphore_mem>>) src(%arg5 : memref<1000x16xf32, #tpu.memory_space<vmem>>) dst(%dma_wait3A_126 : memref<1000x16xf32, #tpu.memory_space<hbm>>)
    %add3A_127 = arith.constant 7000 : i32
    %add3A_128 = arith.addi %mul3A_2, %add3A_127 : i32
    %dma_start3A_129 = arith.constant 0 : i32
    %dma_start3A_130 = tpu.memref_slice %arg2[%add3A_128, %dma_start3A_129] : memref<320000x16xf32, #tpu.memory_space<hbm>> -> memref<1000x16xf32, #tpu.memory_space<hbm>>
    %dma_start3A_131 = arith.constant 0 : i32
    %dma_start3A_132 = tpu.memref_slice %arg2[%add3A_128, %dma_start3A_131] : memref<320000x16xf32, #tpu.memory_space<hbm>> -> memref<1000x16xf32, #tpu.memory_space<hbm>>
    tpu.enqueue_dma source(%dma_start3A_132 : memref<1000x16xf32, #tpu.memory_space<hbm>>) target(%arg5 : memref<1000x16xf32, #tpu.memory_space<vmem>>) target_semaphore(%arg7 : memref<!tpu.dma_semaphore, #tpu.memory_space<semaphore_mem>>)
    %dma_wait3A_133 = arith.constant 0 : i32
    %dma_wait3A_134 = tpu.memref_slice %arg2[%add3A_108, %dma_wait3A_133] : memref<320000x16xf32, #tpu.memory_space<hbm>> -> memref<1000x16xf32, #tpu.memory_space<hbm>>
    %dma_wait3A_135 = arith.constant 0 : i32
    %dma_wait3A_136 = tpu.memref_slice %arg2[%add3A_108, %dma_wait3A_135] : memref<320000x16xf32, #tpu.memory_space<hbm>> -> memref<1000x16xf32, #tpu.memory_space<hbm>>
    tpu.wait_dma2 semaphore(%arg6 : memref<!tpu.dma_semaphore, #tpu.memory_space<semaphore_mem>>) src(%dma_wait3A_136 : memref<1000x16xf32, #tpu.memory_space<hbm>>) dst(%arg4 : memref<1000x16xf32, #tpu.memory_space<vmem>>)
    %add3A_137 = arith.constant 6000 : i32
    %add3A_138 = arith.addi %mul3A_2, %add3A_137 : i32
    %dma_start3A_139 = arith.constant 0 : i32
    %dma_start3A_140 = tpu.memref_slice %arg3[%add3A_138, %dma_start3A_139] : memref<320000x16xf32, #tpu.memory_space<hbm>> -> memref<1000x16xf32, #tpu.memory_space<hbm>>
    %dma_start3A_141 = arith.constant 0 : i32
    %dma_start3A_142 = tpu.memref_slice %arg3[%add3A_138, %dma_start3A_141] : memref<320000x16xf32, #tpu.memory_space<hbm>> -> memref<1000x16xf32, #tpu.memory_space<hbm>>
    tpu.enqueue_dma source(%arg4 : memref<1000x16xf32, #tpu.memory_space<vmem>>) target(%dma_start3A_142 : memref<1000x16xf32, #tpu.memory_space<hbm>>) target_semaphore(%arg8 : memref<!tpu.dma_semaphore, #tpu.memory_space<semaphore_mem>>)
    %dma_wait3A_143 = arith.constant 0 : i32
    %dma_wait3A_144 = tpu.memref_slice %arg3[%add3A_138, %dma_wait3A_143] : memref<320000x16xf32, #tpu.memory_space<hbm>> -> memref<1000x16xf32, #tpu.memory_space<hbm>>
    %dma_wait3A_145 = arith.constant 0 : i32
    %dma_wait3A_146 = tpu.memref_slice %arg3[%add3A_138, %dma_wait3A_145] : memref<320000x16xf32, #tpu.memory_space<hbm>> -> memref<1000x16xf32, #tpu.memory_space<hbm>>
    tpu.wait_dma2 semaphore(%arg8 : memref<!tpu.dma_semaphore, #tpu.memory_space<semaphore_mem>>) src(%arg4 : memref<1000x16xf32, #tpu.memory_space<vmem>>) dst(%dma_wait3A_146 : memref<1000x16xf32, #tpu.memory_space<hbm>>)
    %add3A_147 = arith.constant 8000 : i32
    %add3A_148 = arith.addi %mul3A_2, %add3A_147 : i32
    %dma_start3A_149 = arith.constant 0 : i32
    %dma_start3A_150 = tpu.memref_slice %arg2[%add3A_148, %dma_start3A_149] : memref<320000x16xf32, #tpu.memory_space<hbm>> -> memref<1000x16xf32, #tpu.memory_space<hbm>>
    %dma_start3A_151 = arith.constant 0 : i32
    %dma_start3A_152 = tpu.memref_slice %arg2[%add3A_148, %dma_start3A_151] : memref<320000x16xf32, #tpu.memory_space<hbm>> -> memref<1000x16xf32, #tpu.memory_space<hbm>>
    tpu.enqueue_dma source(%dma_start3A_152 : memref<1000x16xf32, #tpu.memory_space<hbm>>) target(%arg4 : memref<1000x16xf32, #tpu.memory_space<vmem>>) target_semaphore(%arg6 : memref<!tpu.dma_semaphore, #tpu.memory_space<semaphore_mem>>)
    %dma_wait3A_153 = arith.constant 0 : i32
    %dma_wait3A_154 = tpu.memref_slice %arg2[%add3A_128, %dma_wait3A_153] : memref<320000x16xf32, #tpu.memory_space<hbm>> -> memref<1000x16xf32, #tpu.memory_space<hbm>>
    %dma_wait3A_155 = arith.constant 0 : i32
    %dma_wait3A_156 = tpu.memref_slice %arg2[%add3A_128, %dma_wait3A_155] : memref<320000x16xf32, #tpu.memory_space<hbm>> -> memref<1000x16xf32, #tpu.memory_space<hbm>>
    tpu.wait_dma2 semaphore(%arg7 : memref<!tpu.dma_semaphore, #tpu.memory_space<semaphore_mem>>) src(%dma_wait3A_156 : memref<1000x16xf32, #tpu.memory_space<hbm>>) dst(%arg5 : memref<1000x16xf32, #tpu.memory_space<vmem>>)
    %add3A_157 = arith.constant 7000 : i32
    %add3A_158 = arith.addi %mul3A_2, %add3A_157 : i32
    %dma_start3A_159 = arith.constant 0 : i32
    %dma_start3A_160 = tpu.memref_slice %arg3[%add3A_158, %dma_start3A_159] : memref<320000x16xf32, #tpu.memory_space<hbm>> -> memref<1000x16xf32, #tpu.memory_space<hbm>>
    %dma_start3A_161 = arith.constant 0 : i32
    %dma_start3A_162 = tpu.memref_slice %arg3[%add3A_158, %dma_start3A_161] : memref<320000x16xf32, #tpu.memory_space<hbm>> -> memref<1000x16xf32, #tpu.memory_space<hbm>>
    tpu.enqueue_dma source(%arg5 : memref<1000x16xf32, #tpu.memory_space<vmem>>) target(%dma_start3A_162 : memref<1000x16xf32, #tpu.memory_space<hbm>>) target_semaphore(%arg9 : memref<!tpu.dma_semaphore, #tpu.memory_space<semaphore_mem>>)
    %dma_wait3A_163 = arith.constant 0 : i32
    %dma_wait3A_164 = tpu.memref_slice %arg3[%add3A_158, %dma_wait3A_163] : memref<320000x16xf32, #tpu.memory_space<hbm>> -> memref<1000x16xf32, #tpu.memory_space<hbm>>
    %dma_wait3A_165 = arith.constant 0 : i32
    %dma_wait3A_166 = tpu.memref_slice %arg3[%add3A_158, %dma_wait3A_165] : memref<320000x16xf32, #tpu.memory_space<hbm>> -> memref<1000x16xf32, #tpu.memory_space<hbm>>
    tpu.wait_dma2 semaphore(%arg9 : memref<!tpu.dma_semaphore, #tpu.memory_space<semaphore_mem>>) src(%arg5 : memref<1000x16xf32, #tpu.memory_space<vmem>>) dst(%dma_wait3A_166 : memref<1000x16xf32, #tpu.memory_space<hbm>>)
    %add3A_167 = arith.constant 9000 : i32
    %add3A_168 = arith.addi %mul3A_2, %add3A_167 : i32
    %dma_start3A_169 = arith.constant 0 : i32
    %dma_start3A_170 = tpu.memref_slice %arg2[%add3A_168, %dma_start3A_169] : memref<320000x16xf32, #tpu.memory_space<hbm>> -> memref<1000x16xf32, #tpu.memory_space<hbm>>
    %dma_start3A_171 = arith.constant 0 : i32
    %dma_start3A_172 = tpu.memref_slice %arg2[%add3A_168, %dma_start3A_171] : memref<320000x16xf32, #tpu.memory_space<hbm>> -> memref<1000x16xf32, #tpu.memory_space<hbm>>
    tpu.enqueue_dma source(%dma_start3A_172 : memref<1000x16xf32, #tpu.memory_space<hbm>>) target(%arg5 : memref<1000x16xf32, #tpu.memory_space<vmem>>) target_semaphore(%arg7 : memref<!tpu.dma_semaphore, #tpu.memory_space<semaphore_mem>>)
    %dma_wait3A_173 = arith.constant 0 : i32
    %dma_wait3A_174 = tpu.memref_slice %arg2[%add3A_148, %dma_wait3A_173] : memref<320000x16xf32, #tpu.memory_space<hbm>> -> memref<1000x16xf32, #tpu.memory_space<hbm>>
    %dma_wait3A_175 = arith.constant 0 : i32
    %dma_wait3A_176 = tpu.memref_slice %arg2[%add3A_148, %dma_wait3A_175] : memref<320000x16xf32, #tpu.memory_space<hbm>> -> memref<1000x16xf32, #tpu.memory_space<hbm>>
    tpu.wait_dma2 semaphore(%arg6 : memref<!tpu.dma_semaphore, #tpu.memory_space<semaphore_mem>>) src(%dma_wait3A_176 : memref<1000x16xf32, #tpu.memory_space<hbm>>) dst(%arg4 : memref<1000x16xf32, #tpu.memory_space<vmem>>)
    %add3A_177 = arith.constant 8000 : i32
    %add3A_178 = arith.addi %mul3A_2, %add3A_177 : i32
    %dma_start3A_179 = arith.constant 0 : i32
    %dma_start3A_180 = tpu.memref_slice %arg3[%add3A_178, %dma_start3A_179] : memref<320000x16xf32, #tpu.memory_space<hbm>> -> memref<1000x16xf32, #tpu.memory_space<hbm>>
    %dma_start3A_181 = arith.constant 0 : i32
    %dma_start3A_182 = tpu.memref_slice %arg3[%add3A_178, %dma_start3A_181] : memref<320000x16xf32, #tpu.memory_space<hbm>> -> memref<1000x16xf32, #tpu.memory_space<hbm>>
    tpu.enqueue_dma source(%arg4 : memref<1000x16xf32, #tpu.memory_space<vmem>>) target(%dma_start3A_182 : memref<1000x16xf32, #tpu.memory_space<hbm>>) target_semaphore(%arg8 : memref<!tpu.dma_semaphore, #tpu.memory_space<semaphore_mem>>)
    %dma_wait3A_183 = arith.constant 0 : i32
    %dma_wait3A_184 = tpu.memref_slice %arg2[%add3A_168, %dma_wait3A_183] : memref<320000x16xf32, #tpu.memory_space<hbm>> -> memref<1000x16xf32, #tpu.memory_space<hbm>>
    %dma_wait3A_185 = arith.constant 0 : i32
    %dma_wait3A_186 = tpu.memref_slice %arg2[%add3A_168, %dma_wait3A_185] : memref<320000x16xf32, #tpu.memory_space<hbm>> -> memref<1000x16xf32, #tpu.memory_space<hbm>>
    tpu.wait_dma2 semaphore(%arg7 : memref<!tpu.dma_semaphore, #tpu.memory_space<semaphore_mem>>) src(%dma_wait3A_186 : memref<1000x16xf32, #tpu.memory_space<hbm>>) dst(%arg5 : memref<1000x16xf32, #tpu.memory_space<vmem>>)
    %add3A_187 = arith.constant 9000 : i32
    %add3A_188 = arith.addi %mul3A_2, %add3A_187 : i32
    %dma_start3A_189 = arith.constant 0 : i32
    %dma_start3A_190 = tpu.memref_slice %arg3[%add3A_188, %dma_start3A_189] : memref<320000x16xf32, #tpu.memory_space<hbm>> -> memref<1000x16xf32, #tpu.memory_space<hbm>>
    %dma_start3A_191 = arith.constant 0 : i32
    %dma_start3A_192 = tpu.memref_slice %arg3[%add3A_188, %dma_start3A_191] : memref<320000x16xf32, #tpu.memory_space<hbm>> -> memref<1000x16xf32, #tpu.memory_space<hbm>>
    tpu.enqueue_dma source(%arg5 : memref<1000x16xf32, #tpu.memory_space<vmem>>) target(%dma_start3A_192 : memref<1000x16xf32, #tpu.memory_space<hbm>>) target_semaphore(%arg9 : memref<!tpu.dma_semaphore, #tpu.memory_space<semaphore_mem>>)
    %dma_wait3A_193 = arith.constant 0 : i32
    %dma_wait3A_194 = tpu.memref_slice %arg3[%add3A_178, %dma_wait3A_193] : memref<320000x16xf32, #tpu.memory_space<hbm>> -> memref<1000x16xf32, #tpu.memory_space<hbm>>
    %dma_wait3A_195 = arith.constant 0 : i32
    %dma_wait3A_196 = tpu.memref_slice %arg3[%add3A_178, %dma_wait3A_195] : memref<320000x16xf32, #tpu.memory_space<hbm>> -> memref<1000x16xf32, #tpu.memory_space<hbm>>
    tpu.wait_dma2 semaphore(%arg8 : memref<!tpu.dma_semaphore, #tpu.memory_space<semaphore_mem>>) src(%arg4 : memref<1000x16xf32, #tpu.memory_space<vmem>>) dst(%dma_wait3A_196 : memref<1000x16xf32, #tpu.memory_space<hbm>>)
    %dma_wait3A_197 = arith.constant 0 : i32
    %dma_wait3A_198 = tpu.memref_slice %arg3[%add3A_188, %dma_wait3A_197] : memref<320000x16xf32, #tpu.memory_space<hbm>> -> memref<1000x16xf32, #tpu.memory_space<hbm>>
    %dma_wait3A_199 = arith.constant 0 : i32
    %dma_wait3A_200 = tpu.memref_slice %arg3[%add3A_188, %dma_wait3A_199] : memref<320000x16xf32, #tpu.memory_space<hbm>> -> memref<1000x16xf32, #tpu.memory_space<hbm>>
    tpu.wait_dma2 semaphore(%arg9 : memref<!tpu.dma_semaphore, #tpu.memory_space<semaphore_mem>>) src(%arg5 : memref<1000x16xf32, #tpu.memory_space<vmem>>) dst(%dma_wait3A_200 : memref<1000x16xf32, #tpu.memory_space<hbm>>)
    return
  }
}

module attributes {stable_mosaic.version = 14 : i64} {
  func.func @_tc_copy_body(%arg0: i32, %arg1: memref<2000x128xf32, #tpu.memory_space<vmem>>, %arg2: memref<2000x128xf32, #tpu.memory_space<vmem>>) attributes {dimension_semantics = [#tpu.dimension_semantics<arbitrary>], iteration_bounds = array<i64: 5>, scalar_prefetch = 0 : i64, scratch_operands = 0 : i64, tpu.core_type = #tpu.core_type<tc>, window_params = [{transform_indices = @transform_0, window_bounds = array<i64: 2000, 128>}, {transform_indices = @transform_1, window_bounds = array<i64: 2000, 128>}]} {
    %get3A = arith.constant 0 : index
    %get3A_0 = arith.constant 0 : index
    %get3A_1 = vector.load %arg1[%get3A, %get3A_0] : memref<2000x128xf32, #tpu.memory_space<vmem>>, vector<2000x128xf32>
    %swap3A = arith.constant 0 : index
    %swap3A_2 = arith.constant 0 : index
    %swap3A_3 = vector.load %arg2[%swap3A, %swap3A_2] : memref<2000x128xf32, #tpu.memory_space<vmem>>, vector<2000x128xf32>
    tpu.vector_store %arg2[%swap3A, %swap3A_2], %get3A_1 {strides = array<i32>} : memref<2000x128xf32, #tpu.memory_space<vmem>>, vector<2000x128xf32>,
    return
  }
  func.func @transform_0(%arg0: i32) -> (i32, i32) {
    %c0_i32 = arith.constant 0 : i32
    %c0_i32_0 = arith.constant 0 : i32
    return %arg0, %c0_i32 : i32, i32
  }
  func.func @transform_1(%arg0: i32) -> (i32, i32) {
    %c0_i32 = arith.constant 0 : i32
    %c0_i32_0 = arith.constant 0 : i32
    return %arg0, %c0_i32 : i32, i32
  }
}

</mosaic_0001>

<sc_bundles>
// kernel: kernel.4.cloned.1.call-start
scs
__scs_entry_jumppad:
0x0: {  	(pc) =	sbr.rel $0x88, $3  }
0x1: {  	(tag) =	ssettag $0x0;
	lr =	simm.s32 $0x1  }
0x2: {  	[smem:$0x3F9F] =	sst lr;
	_ =	strace $0xD0000000  }
0x3: {  	_ = 	snop  }
0x4: {  	_ = 	snop  }
0x5: {  	_ = 	snop  }
0x6: {  	_ = 	snop  }
0x7: {  	_ = 	snop  }
__scs_overlays_trampoline_lowered:
0x8: {  	[smem:$0x3FAE] =	sst s0  }
0x9: {  	[smem:$0x3FAF] =	sst s1  }
0xa: {  	[smem:$0x3FB0] =	sst s2  }
0xb: {  	[smem:$0x3FB1] =	sst s3  }
0xc: {  	[smem:$0x3FB2] =	sst s4  }
0xd: {  	[smem:$0x3FB3] =	sst s5  }
0xe: {  	[smem:$0x3FB4] =	sst s6  }
0xf: {  	[smem:$0x3FB5] =	sst s7  }
0x10: {  	[smem:$0x3FB6] =	sst s8  }
0x11: {  	[smem:$0x3FB7] =	sst s9;
	s0 =	simm.s32 @!p0 $0x0  }
0x12: {  	s1 =	sld [smem:$0x3F9D];
	s0 =	simm.s32 @p0 $0x1  }
0x13: {  	[smem:$0x3FB8] =	sst s0;
	s0 =	simm.s32 @!p1 $0x0  }
0x14: {  	s2 =	sld [smem:$0x3F9C];
	s0 =	simm.s32 @p1 $0x1  }
0x15: {  	[smem:$0x3FB9] =	sst s0;
	s0 =	simm.s32 @!p2 $0x0  }
0x16: {  	s3 =	sld [smem:$0x3FDB];
	s0 =	simm.s32 @p2 $0x1  }
0x17: {  	s4 =	simm.s32 $0x1BF5;
	[smem:$0x3FBB] =	sst s0  }
0x18: {  	s0 =	sld [smem:$0x3F9E];
	_ =	swait.ge [sflag:s4], $0x0  }
0x19: {  	s7 =	sld [smem:$0x3F9F]  }
0x1a: {  	s8 =	sadd.s32 $0xFFFFE003, lr  }
0x1b: {  	s9 =	sadd.s32 $0xFFFFFEF7, lr;
	s5 =	simm.s32 $0xFFFFFFFF;
	p2 =	slt.u32 s8, $0xFFFFF086  }
0x1c: {  	p1 =	slt.u32 s9, $0xF7A;
	s5 =	simm.s32 @!p2 $0x0  }
0x1d: {  	s5 =	simm.s32 @p1 $0x1;
	p0 =	seq.s32 s7, s2  }
0x1e: {  	s7 =	smul.u32 @!p0 $0xF7A, s2;
	p2 =	seq.s32 @!p0 s5, $0x0  }
0x1f: {  	s9 =	smul.u32 $0xF7A, s1;
	s8 =	simm.s32 @!p0 $0x1BF5;
	p2 =	por !p2, p0  }
0x20: {  	[sflag:s8] =	ssyncset.s32 @!p0 $0xFFFFF086;
	s6 =	sadd.s32 @!p0 s3, s7;
	s7 =	simm.s32 @!p0 $0x108  }
0x21: {  	s3 =	sadd.s32 s3, s9;
	s6 =	sadd.s32 @!p0 $0x88, s6;
	s7 =	simm.s32 @p2 $0x1082  }
0x22: {  	[simem:s7], [sflag:s8] =	dma.local @!p0 [hbm:s6], $0xF7A  }
0x23: {  	s9 =	sor.u32 $0xD0000000, s2;
	s6 =	simm.s32 $0x108;
	_ =	swait.ge @!p0 [sflag:s8], $0x0  }
0x24: {  	s3 =	sadd.s32 $0x88, s3;
	s6 =	simm.s32 @!p1 $0x1082;
	[sflag:s4] =	ssyncset.s32 $0xFFFFF086  }
0x25: {  	[simem:s6], [sflag:s4] =	dma.local [hbm:s3], $0xF7A  }
0x26: {  	[smem:$0x3F9F] =	sst s1;
	(tag) =	ssettag s2;
	_ =	strace s9  }
0x27: {  	s1 =	sld [smem:$0x3FAF]  }
0x28: {  	s2 =	sld [smem:$0x3FB0]  }
0x29: {  	s4 =	sld [smem:$0x3FB2]  }
0x2a: {  	p0 =	seq.s32 s5, $0x0;
	s5 =	sld [smem:$0x3FB3]  }
0x2b: {  	s6 =	sld [smem:$0x3FB4]  }
0x2c: {  	s7 =	sld [smem:$0x3FB5]  }
0x2d: {  	s3 =	simm.s32 $0x108;
	s8 =	sld [smem:$0x3FB6]  }
0x2e: {  	s3 =	simm.s32 @!p0 $0x1082;
	s9 =	sld [smem:$0x3FB7]  }
0x2f: {  	lr =	sadd.s32 s0, s3;
	s0 =	sld [smem:$0x3FAE]  }
0x30: {  	s3 =	sld [smem:$0x3FB1]  }
0x31: {  	[smem:$0x3FBA] =	sst s10  }
0x32: {  	s10 =	sld [smem:$0x3FB8];
	_ =	sdelay $0x3  }
0x33: {  	p0 =	seq.s32 s10, $0x1;
	s10 =	sld [smem:$0x3FBA];
	_ =	sdelay $0x3  }
0x34: {  	[smem:$0x3FBA] =	sst s10  }
0x35: {  	s10 =	sld [smem:$0x3FB9];
	_ =	sdelay $0x3  }
0x36: {  	p1 =	seq.s32 s10, $0x1;
	s10 =	sld [smem:$0x3FBA];
	_ =	sdelay $0x3  }
0x37: {  	[smem:$0x3FBA] =	sst s10  }
0x38: {  	s10 =	sld [smem:$0x3FBB]  }
0x39: {  	_ = 	snop;
	(pc) =	sbr.ind lr, $3  }
0x3a: {  	_ = 	snop  }
0x3b: {  	_ = 	snop  }
0x3c: {  	p2 =	seq.s32 s10, $0x1;
	s10 =	sld [smem:$0x3FBA]  }
0x3d: {  	_ =	shalt  }
0x3e: {  	_ =	shalt  }
0x3f: {  	_ =	shalt  }
0x40: {  	_ =	shalt  }
0x41: {  	_ =	shalt  }
0x42: {  	_ =	shalt  }
0x43: {  	_ =	shalt  }
0x44: {  	_ =	shalt  }
0x45: {  	_ =	shalt  }
0x46: {  	_ =	shalt  }
0x47: {  	_ =	shalt  }
0x48: {  	_ =	shalt  }
0x49: {  	_ =	shalt  }
0x4a: {  	_ =	shalt  }
0x4b: {  	_ =	shalt  }
0x4c: {  	_ =	shalt  }
0x4d: {  	_ =	shalt  }
0x4e: {  	_ =	shalt  }
0x4f: {  	_ =	shalt  }
0x50: {  	_ =	shalt  }
0x51: {  	_ =	shalt  }
0x52: {  	_ =	shalt  }
0x53: {  	_ =	shalt  }
0x54: {  	_ =	shalt  }
0x55: {  	_ =	shalt  }
0x56: {  	_ =	shalt  }
0x57: {  	_ =	shalt  }
0x58: {  	_ =	shalt  }
0x59: {  	_ =	shalt  }
0x5a: {  	_ =	shalt  }
0x5b: {  	_ =	shalt  }
0x5c: {  	_ =	shalt  }
0x5d: {  	_ =	shalt  }
0x5e: {  	_ =	shalt  }
0x5f: {  	_ =	shalt  }
0x60: {  	_ =	shalt  }
0x61: {  	_ =	shalt  }
0x62: {  	_ =	shalt  }
0x63: {  	_ =	shalt  }
0x64: {  	_ =	shalt  }
0x65: {  	_ =	shalt  }
0x66: {  	_ =	shalt  }
0x67: {  	_ =	shalt  }
0x68: {  	_ =	shalt  }
0x69: {  	_ =	shalt  }
0x6a: {  	_ =	shalt  }
0x6b: {  	_ =	shalt  }
0x6c: {  	_ =	shalt  }
0x6d: {  	_ =	shalt  }
0x6e: {  	_ =	shalt  }
0x6f: {  	_ =	shalt  }
0x70: {  	_ =	shalt  }
0x71: {  	_ =	shalt  }
0x72: {  	_ =	shalt  }
0x73: {  	_ =	shalt  }
0x74: {  	_ =	shalt  }
0x75: {  	_ =	shalt  }
0x76: {  	_ =	shalt  }
0x77: {  	_ =	shalt  }
0x78: {  	_ =	shalt  }
0x79: {  	_ =	shalt  }
0x7a: {  	_ =	shalt  }
0x7b: {  	_ =	shalt  }
0x7c: {  	_ =	shalt  }
0x7d: {  	_ =	shalt  }
0x7e: {  	_ =	shalt  }
0x7f: {  	_ =	shalt  }
0x80: {  	_ =	shalt  }
0x81: {  	_ =	shalt  }
0x82: {  	_ =	shalt  }
0x83: {  	_ =	shalt  }
0x84: {  	_ =	shalt  }
0x85: {  	_ =	shalt  }
0x86: {  	_ =	shalt  }
0x87: {  	_ =	shalt  }
.Lfunc_end0:
.L_simem_size_0:
called_computation_lowered:
.L_overlay_start_0:
0x88: {  	s2 =	sld [smem:$0x3FD9]  }
0x89: {  	s3 =	sld [smem:$0x3FFE];
	_ =	sdelay $0x1  }
0x8a: {  	s1 =	srdreg.scid  }
0x8b: {  	s0 =	sand.u32 $0x1, s1  }
0x8c: {  	s14 =	sshll.u32 s0, $0xA;
	s2 =	sadd.s32 s3, s2  }
0x8d: {  	s2 =	sadd.s32 s2, s14  }
0x8e: {  	[smem:$0x3FC6] =	sst s2  }
0x8f: {  	_ = 	snop  }
0x90: {  	s2 =	sld [smem:$0x3FD0];
	_ =	sdelay $0x2  }
0x91: {  	s15 =	simm.s32 $0xA;
	s4 =	simm.s32 $0x10  }
0x92: {  	[smem:s4], [sflag:s15] =	dma.local [hbm:s2], $0x1  }
0x93: {  	_ =	swait.eq [sflag:s15], $0x1  }
0x94: {  	[sflag:s15] =	ssyncset.done $0x0  }
0x95: {  	[sflag:s15] =	ssyncadd.s32 $0xFFFFFFFF  }
0x96: {  	s16 =	sld [smem:$0x11];
	(tm) =	ssettm $0x1  }
0x97: {  	s17 =	sld [smem:$0x3FFB];
	_ =	sdelay $0x3  }
0x98: {  	_ =	strace s17  }
0x99: {  	s3 =	sld [smem:$0x3FFC];
	_ =	sdelay $0x3  }
0x9a: {  	_ =	strace s3  }
0x9b: {  	s3 =	sld [smem:$0x3FFD];
	_ =	sdelay $0x3  }
0x9c: {  	_ =	strace s3  }
0x9d: {  	_ =	strace $0x8FFFFFFF  }
0x9e: {  	s18 =	sld [smem:$0x3FDB];
	_ =	sdelay $0x1  }
0x9f: {  	s19 =	simm.s32 $_scs_section_size  }
0xa0: {  	s5 =	simm.s32 $_size__tile_overlayer_lowered;
	s6 =	simm.s32 $_tile_overlayer_lowered  }
0xa1: {  	s22 =	simm.s32 $0x1BFF;
	s21 =	sshll.u32 s6, $0x1;
	s3 =	sadd.s32 s19, s18  }
0xa2: {  	s7 =	simm.s32 $0x0;
	s20 =	sshll.u32 s5, $0x1;
	s5 =	sadd.s32 s21, s3  }
0xa3: {  	[timem:s7], [sflag:s22] =	dma.local [hbm:s5], s20  }
0xa4: {  	_ =	swait.ge [sflag:s22], s20  }
0xa5: {  	s4 =	ssub.s32 $0x0, s20;
	[sflag:s22] =	ssyncset.done $0x0  }
0xa6: {  	[sflag:s22] =	ssyncadd.s32 s4;
	_ =	sdelay $0x1  }
0xa7: {  	s23 =	simm.s32 $0x1B8B  }
0xa8: {  	_ =	swait.ge [sflag:s23], $0x1  }
0xa9: {  	[sflag:s23] =	ssyncset.done $0x0  }
0xaa: {  	s25 =	simm.s32 $0x1B8E;
	s24 =	sld [smem:$0x3FFE];
	[sflag:s23] =	ssyncadd.s32 $0xFFFFFFFF  }
0xab: {  	s26 =	simm.s32 $execute0_lowered;
	[smem:$0x3FD2] =	sst s25  }
0xac: {  	s5 =	sshll.u32 s26, $0x1;
	_ =	strace $0x80000046;
	[dreg:$0x1] =	wrdreg $0xFFFFFFFF  }
0xad: {  	s28 =	simm.s32 $_size_execute0_lowered;
	s3 =	sadd.s32 s3, s5;
	[dreg:$0x0] =	wrdreg $0x0  }
0xae: {  	s5 =	sshll.u32 s28, $0x1;
	[dreg:$0x2] =	wrdreg s3  }
0xaf: {  	[dreg:$0x3] =	wrdreg s5  }
0xb0: {  	[dreg:$0x4] =	wrdreg $0xC0  }
0xb1: {  	_ =	task [dreg:s7], $0x5FFFF  }
0xb2: {  	[dreg:$0x1] =	wrdreg $0xFFFFFFFF  }
0xb3: {  	[dreg:$0x0] =	wrdreg $0x60  }
0xb4: {  	[dreg:$0x2] =	wrdreg s16  }
0xb5: {  	[dreg:$0x3] =	wrdreg s24  }
0xb6: {  	[dreg:$0x4] =	wrdreg $0x9  }
0xb7: {  	_ =	task.clear_ibuf [dreg:s7], $0x5FFFF;
	_ =	strace $0x90000046  }
0xb8: {  	s29 =	simm.s32 $0x9;
	_ =	strace $0x80000048  }
0xb9: {  	_ =	swait.ge [sflag:s29], $0x1  }
0xba: {  	[sflag:s29] =	ssyncadd.s32 $0xFFFFFFFF  }
0xbb: {  	_ =	strace $0x90000048  }
0xbc: {  	_ =	sfence  }
0xbd: {  	s30 =	sld [smem:$0x0];
	_ =	sdelay $0x2  }
0xbe: {  	s31 =	sshll.u32 s1, $0xD;
	s1 =	sshrl.u32 s1, $0x2  }
0xbf: {  	s3 =	sand.u32 $0x4000, s31;
	s1 =	sadd.s32 s1, s30  }
0xc0: {  	s0 =	sor.u32 s3, s0;
	s1 =	sshll.u32 s1, $0x11  }
0xc1: {  	s0 =	sor.u32 s1, s0  }
0xc2: {  	s0 =	sadd.s32 $0x8F2B, s0  }
0xc3: {  	[sflag:s0] =	ssyncadd.remote.s32 $0x1  }
0xc4: {  	_ =	sfence.sel $0xFFFF  }
0xc5: {  	[dreg:$0x0] =	wrdreg $0xFFFFFFFF;
	(pc) =	sbr.abs _section_cstart, $3  }
0xc6: {  	[dreg:$0x1] =	wrdreg $0xFFFFFFFF  }
0xc7: {  	_ =	task.clear_ibuf [dreg:s7], $0x2FFFF;
	_ =	strace $0x9FFFFFFF  }
0xc8: {  	(tm) =	ssettm $0x7FFFFFFF  }
0xc9: {  	_ =	shalt  }
tec
execute0_lowered:
.L_overlay_start_1:
0x0: {  	(tag) =	ssettag $0x1  }
0x1: {  	s1 =	srdreg.scid;
	s0 =	stileid.u32  }
0x2: {  	s29 =	sand.u32 $0x1, s1;
	s30 =	sshll.u32 s0, $0x1  }
0x3: {  	s25 =	rddreg [dreg:$0x0];
	s3 =	sor.u32 s29, s30  }
0x4: {  	s7 =	rddreg [dreg:$0x1];
	s4 =	smul.u32 $0x27100, s3  }
0x5: {  	s2 =	simm.s32 $0x0;
	s1 =	rddreg [dreg:$0x2];
	s8 =	smul.u32 $0x4E20, s3  }
0x6: {  	[smem:$0x7FF] =	sst s2;
	s26 =	sshrl.u32 s4, $0x3  }
0x7: {  	_ =	strace $0x80000047;
	s3 =	sadd.s32 s25, s8;
	s11 =	sadd.s32 $0x7D0, s26  }
0x8: {  	[tilespmem:s2], [sflag:$0x1] =	stream.linear.gather [hbm4b:s3+s2], $0x3E80, $0x38;
	[tilespmem:$0x7D00] =	vst v63  }
0x9: {  	s5 =	simm.s32 $0x3E80;
	s6 =	simm.s32 $0x1;
	s4 =	sadd.s32 s25, s11  }
0xa: {  	[tilespmem:s5], [sflag:$0x2] =	stream.linear.gather [hbm4b:s4+s2], $0x3E80, $0x38;
	[tilespmem:$0x7D00] =	vst v63  }
0xb: {  	_ =	swait.ge [sflag:s6], $0x3E80  }
0xc: {  	s28 =	sadd.s32 $0xC00, s7;
	[sflag:s6] =	ssyncset.done $0x0  }
0xd: {  	s7 =	sadd.s32 s28, s8;
	s8 =	simm.s32 $0x3;
	[sflag:s6] =	ssyncadd.s32 $0xFFFFC180  }
0xe: {  	[hbm4b:s7+s2] =	stream.linear.scatter [tilespmem:s2], [sflag:$0x3], $0x3E80, $0x38;
	[tilespmem:$0x7D00] =	vst v63  }
0xf: {  	_ =	swait.ge [sflag:s8], $0x3E80  }
0x10: {  	s14 =	sadd.s32 $0xFA0, s26;
	[sflag:s8] =	ssyncset.done $0x0  }
0x11: {  	s10 =	simm.s32 $0x2;
	s9 =	sadd.s32 s25, s14;
	[sflag:s8] =	ssyncadd.s32 $0xFFFFC180  }
0x12: {  	[tilespmem:s2], [sflag:$0x1] =	stream.linear.gather [hbm4b:s9+s2], $0x3E80, $0x38;
	[tilespmem:$0x7D00] =	vst v63  }
0x13: {  	_ =	swait.ge [sflag:s10], $0x3E80  }
0x14: {  	[sflag:s10] =	ssyncset.done $0x0  }
0x15: {  	s12 =	sadd.s32 s28, s11;
	s11 =	simm.s32 $0x4;
	[sflag:s10] =	ssyncadd.s32 $0xFFFFC180  }
0x16: {  	[hbm4b:s12+s2] =	stream.linear.scatter [tilespmem:s5], [sflag:$0x4], $0x3E80, $0x38;
	[tilespmem:$0x7D00] =	vst v63  }
0x17: {  	_ =	swait.ge [sflag:s11], $0x3E80  }
0x18: {  	s16 =	sadd.s32 $0x1770, s26;
	[sflag:s11] =	ssyncset.done $0x0  }
0x19: {  	s13 =	sadd.s32 s25, s16;
	[sflag:s11] =	ssyncadd.s32 $0xFFFFC180  }
0x1a: {  	[tilespmem:s5], [sflag:$0x2] =	stream.linear.gather [hbm4b:s13+s2], $0x3E80, $0x38;
	[tilespmem:$0x7D00] =	vst v63  }
0x1b: {  	_ =	swait.ge [sflag:s6], $0x3E80  }
0x1c: {  	[sflag:s6] =	ssyncset.done $0x0  }
0x1d: {  	s14 =	sadd.s32 s28, s14;
	[sflag:s6] =	ssyncadd.s32 $0xFFFFC180  }
0x1e: {  	[hbm4b:s14+s2] =	stream.linear.scatter [tilespmem:s2], [sflag:$0x3], $0x3E80, $0x38;
	[tilespmem:$0x7D00] =	vst v63  }
0x1f: {  	_ =	swait.ge [sflag:s8], $0x3E80  }
0x20: {  	s18 =	sadd.s32 $0x1F40, s26;
	[sflag:s8] =	ssyncset.done $0x0  }
0x21: {  	s15 =	sadd.s32 s25, s18;
	[sflag:s8] =	ssyncadd.s32 $0xFFFFC180  }
0x22: {  	[tilespmem:s2], [sflag:$0x1] =	stream.linear.gather [hbm4b:s15+s2], $0x3E80, $0x38;
	[tilespmem:$0x7D00] =	vst v63  }
0x23: {  	_ =	swait.ge [sflag:s10], $0x3E80  }
0x24: {  	[sflag:s10] =	ssyncset.done $0x0  }
0x25: {  	s16 =	sadd.s32 s28, s16;
	[sflag:s10] =	ssyncadd.s32 $0xFFFFC180  }
0x26: {  	[hbm4b:s16+s2] =	stream.linear.scatter [tilespmem:s5], [sflag:$0x4], $0x3E80, $0x38;
	[tilespmem:$0x7D00] =	vst v63  }
0x27: {  	_ =	swait.ge [sflag:s11], $0x3E80  }
0x28: {  	s20 =	sadd.s32 $0x2710, s26;
	[sflag:s11] =	ssyncset.done $0x0  }
0x29: {  	s17 =	sadd.s32 s25, s20;
	[sflag:s11] =	ssyncadd.s32 $0xFFFFC180  }
0x2a: {  	[tilespmem:s5], [sflag:$0x2] =	stream.linear.gather [hbm4b:s17+s2], $0x3E80, $0x38;
	[tilespmem:$0x7D00] =	vst v63  }
0x2b: {  	_ =	swait.ge [sflag:s6], $0x3E80  }
0x2c: {  	[sflag:s6] =	ssyncset.done $0x0  }
0x2d: {  	s18 =	sadd.s32 s28, s18;
	[sflag:s6] =	ssyncadd.s32 $0xFFFFC180  }
0x2e: {  	[hbm4b:s18+s2] =	stream.linear.scatter [tilespmem:s2], [sflag:$0x3], $0x3E80, $0x38;
	[tilespmem:$0x7D00] =	vst v63  }
0x2f: {  	_ =	swait.ge [sflag:s8], $0x3E80  }
0x30: {  	s22 =	sadd.s32 $0x2EE0, s26;
	[sflag:s8] =	ssyncset.done $0x0  }
0x31: {  	s19 =	sadd.s32 s25, s22;
	[sflag:s8] =	ssyncadd.s32 $0xFFFFC180  }
0x32: {  	[tilespmem:s2], [sflag:$0x1] =	stream.linear.gather [hbm4b:s19+s2], $0x3E80, $0x38;
	[tilespmem:$0x7D00] =	vst v63  }
0x33: {  	_ =	swait.ge [sflag:s10], $0x3E80  }
0x34: {  	[sflag:s10] =	ssyncset.done $0x0  }
0x35: {  	s20 =	sadd.s32 s28, s20;
	[sflag:s10] =	ssyncadd.s32 $0xFFFFC180  }
0x36: {  	[hbm4b:s20+s2] =	stream.linear.scatter [tilespmem:s5], [sflag:$0x4], $0x3E80, $0x38;
	[tilespmem:$0x7D00] =	vst v63  }
0x37: {  	_ =	swait.ge [sflag:s11], $0x3E80  }
0x38: {  	s24 =	sadd.s32 $0x36B0, s26;
	[sflag:s11] =	ssyncset.done $0x0  }
0x39: {  	s21 =	sadd.s32 s25, s24;
	[sflag:s11] =	ssyncadd.s32 $0xFFFFC180  }
0x3a: {  	[tilespmem:s5], [sflag:$0x2] =	stream.linear.gather [hbm4b:s21+s2], $0x3E80, $0x38;
	[tilespmem:$0x7D00] =	vst v63  }
0x3b: {  	_ =	swait.ge [sflag:s6], $0x3E80  }
0x3c: {  	[sflag:s6] =	ssyncset.done $0x0  }
0x3d: {  	s22 =	sadd.s32 s28, s22;
	[sflag:s6] =	ssyncadd.s32 $0xFFFFC180  }
0x3e: {  	[hbm4b:s22+s2] =	stream.linear.scatter [tilespmem:s2], [sflag:$0x3], $0x3E80, $0x38;
	[tilespmem:$0x7D00] =	vst v63  }
0x3f: {  	_ =	swait.ge [sflag:s8], $0x3E80  }
0x40: {  	s30 =	sadd.s32 $0x3E80, s26;
	[sflag:s8] =	ssyncset.done $0x0  }
0x41: {  	s23 =	sadd.s32 s25, s30;
	[sflag:s8] =	ssyncadd.s32 $0xFFFFC180  }
0x42: {  	[tilespmem:s2], [sflag:$0x1] =	stream.linear.gather [hbm4b:s23+s2], $0x3E80, $0x38;
	[tilespmem:$0x7D00] =	vst v63  }
0x43: {  	_ =	swait.ge [sflag:s10], $0x3E80  }
0x44: {  	[sflag:s10] =	ssyncset.done $0x0  }
0x45: {  	s24 =	sadd.s32 s28, s24;
	[sflag:s10] =	ssyncadd.s32 $0xFFFFC180  }
0x46: {  	[hbm4b:s24+s2] =	stream.linear.scatter [tilespmem:s5], [sflag:$0x4], $0x3E80, $0x38;
	[tilespmem:$0x7D00] =	vst v63  }
0x47: {  	_ =	swait.ge [sflag:s11], $0x3E80  }
0x48: {  	s31 =	sadd.s32 $0x4650, s26;
	[sflag:s11] =	ssyncset.done $0x0  }
0x49: {  	s25 =	sadd.s32 s25, s31;
	[sflag:s11] =	ssyncadd.s32 $0xFFFFC180  }
0x4a: {  	[tilespmem:s5], [sflag:$0x2] =	stream.linear.gather [hbm4b:s25+s2], $0x3E80, $0x38;
	[tilespmem:$0x7D00] =	vst v63  }
0x4b: {  	_ =	swait.ge [sflag:s6], $0x3E80  }
0x4c: {  	s29 =	ssub.s32 $0x2, s29;
	s26 =	sadd.s32 s28, s30;
	[sflag:s6] =	ssyncset.done $0x0  }
0x4d: {  	s28 =	sadd.s32 s28, s31;
	s31 =	sshrl.u32 s29, $0x1;
	[sflag:s6] =	ssyncadd.s32 $0xFFFFC180  }
0x4e: {  	[hbm4b:s26+s2] =	stream.linear.scatter [tilespmem:s2], [sflag:$0x3], $0x3E80, $0x38;
	[tilespmem:$0x7D00] =	vst v63  }
0x4f: {  	s29 =	ssub.s32 s29, s31;
	_ =	swait.ge [sflag:s10], $0x3E80  }
0x50: {  	s29 =	smax.u32 s29, $0x1;
	[sflag:s10] =	ssyncset.done $0x0  }
0x51: {  	p0 =	sne.s32 s29, $0x1;
	[sflag:s10] =	ssyncadd.s32 $0xFFFFC180  }
0x52: {  	[hbm4b:s28+s2] =	stream.linear.scatter [tilespmem:s5], [sflag:$0x4], $0x3E80, $0x38;
	[tilespmem:$0x7D00] =	vst v63  }
.Ltmp0:
0x53: {  	_ =	swait.ge [sflag:s8], $0x3E80;
	(pc) =	sbr.rel @!p0 .LBB2_2-.Ltmp0, $4  }
0x54: {  	[sflag:s8] =	ssyncset.done $0x0  }
0x55: {  	[sflag:s8] =	ssyncadd.s32 $0xFFFFC180  }
0x56: {  	_ =	swait.ge [sflag:s11], $0x3E80  }
0x57: {  	s29 =	sadd.s32 $0xFFFFFFFF, s29;
	[sflag:s11] =	ssyncset.done $0x0  }
.LBB2_1:
0x58: {  	p0 =	sne.s32 s29, $0x1;
	s29 =	sadd.s32 $0xFFFFFFFF, s29;
	[sflag:s11] =	ssyncadd.s32 $0xFFFFC180  }
0x59: {  	[tilespmem:s2], [sflag:$0x1] =	stream.linear.gather [hbm4b:s3+s2], $0x3E80, $0x38;
	[tilespmem:$0x7D00] =	vst v63  }
0x5a: {  	_ = 	snop  }
0x5b: {  	[tilespmem:s5], [sflag:$0x2] =	stream.linear.gather [hbm4b:s4+s2], $0x3E80, $0x38;
	[tilespmem:$0x7D00] =	vst v63  }
0x5c: {  	_ =	swait.ge [sflag:s6], $0x3E80  }
0x5d: {  	[sflag:s6] =	ssyncset.done $0x0  }
0x5e: {  	[sflag:s6] =	ssyncadd.s32 $0xFFFFC180  }
0x5f: {  	[hbm4b:s7+s2] =	stream.linear.scatter [tilespmem:s2], [sflag:$0x3], $0x3E80, $0x38;
	[tilespmem:$0x7D00] =	vst v63  }
0x60: {  	_ =	swait.ge [sflag:s8], $0x3E80  }
0x61: {  	[sflag:s8] =	ssyncset.done $0x0  }
0x62: {  	[sflag:s8] =	ssyncadd.s32 $0xFFFFC180  }
0x63: {  	[tilespmem:s2], [sflag:$0x1] =	stream.linear.gather [hbm4b:s9+s2], $0x3E80, $0x38;
	[tilespmem:$0x7D00] =	vst v63  }
0x64: {  	_ =	swait.ge [sflag:s10], $0x3E80  }
0x65: {  	[sflag:s10] =	ssyncset.done $0x0  }
0x66: {  	[sflag:s10] =	ssyncadd.s32 $0xFFFFC180  }
0x67: {  	[hbm4b:s12+s2] =	stream.linear.scatter [tilespmem:s5], [sflag:$0x4], $0x3E80, $0x38;
	[tilespmem:$0x7D00] =	vst v63  }
0x68: {  	_ =	swait.ge [sflag:s11], $0x3E80  }
0x69: {  	[sflag:s11] =	ssyncset.done $0x0  }
0x6a: {  	[sflag:s11] =	ssyncadd.s32 $0xFFFFC180  }
0x6b: {  	[tilespmem:s5], [sflag:$0x2] =	stream.linear.gather [hbm4b:s13+s2], $0x3E80, $0x38;
	[tilespmem:$0x7D00] =	vst v63  }
0x6c: {  	_ =	swait.ge [sflag:s6], $0x3E80  }
0x6d: {  	[sflag:s6] =	ssyncset.done $0x0  }
0x6e: {  	[sflag:s6] =	ssyncadd.s32 $0xFFFFC180  }
0x6f: {  	[hbm4b:s14+s2] =	stream.linear.scatter [tilespmem:s2], [sflag:$0x3], $0x3E80, $0x38;
	[tilespmem:$0x7D00] =	vst v63  }
0x70: {  	_ =	swait.ge [sflag:s8], $0x3E80  }
0x71: {  	[sflag:s8] =	ssyncset.done $0x0  }
0x72: {  	[sflag:s8] =	ssyncadd.s32 $0xFFFFC180  }
0x73: {  	[tilespmem:s2], [sflag:$0x1] =	stream.linear.gather [hbm4b:s15+s2], $0x3E80, $0x38;
	[tilespmem:$0x7D00] =	vst v63  }
0x74: {  	_ =	swait.ge [sflag:s10], $0x3E80  }
0x75: {  	[sflag:s10] =	ssyncset.done $0x0  }
0x76: {  	[sflag:s10] =	ssyncadd.s32 $0xFFFFC180  }
0x77: {  	[hbm4b:s16+s2] =	stream.linear.scatter [tilespmem:s5], [sflag:$0x4], $0x3E80, $0x38;
	[tilespmem:$0x7D00] =	vst v63  }
0x78: {  	_ =	swait.ge [sflag:s11], $0x3E80  }
0x79: {  	[sflag:s11] =	ssyncset.done $0x0  }
0x7a: {  	[sflag:s11] =	ssyncadd.s32 $0xFFFFC180  }
0x7b: {  	[tilespmem:s5], [sflag:$0x2] =	stream.linear.gather [hbm4b:s17+s2], $0x3E80, $0x38;
	[tilespmem:$0x7D00] =	vst v63  }
0x7c: {  	_ =	swait.ge [sflag:s6], $0x3E80  }
0x7d: {  	[sflag:s6] =	ssyncset.done $0x0  }
0x7e: {  	[sflag:s6] =	ssyncadd.s32 $0xFFFFC180  }
0x7f: {  	[hbm4b:s18+s2] =	stream.linear.scatter [tilespmem:s2], [sflag:$0x3], $0x3E80, $0x38;
	[tilespmem:$0x7D00] =	vst v63  }
0x80: {  	_ =	swait.ge [sflag:s8], $0x3E80  }
0x81: {  	[sflag:s8] =	ssyncset.done $0x0  }
0x82: {  	[sflag:s8] =	ssyncadd.s32 $0xFFFFC180  }
0x83: {  	[tilespmem:s2], [sflag:$0x1] =	stream.linear.gather [hbm4b:s19+s2], $0x3E80, $0x38;
	[tilespmem:$0x7D00] =	vst v63  }
0x84: {  	_ =	swait.ge [sflag:s10], $0x3E80  }
0x85: {  	[sflag:s10] =	ssyncset.done $0x0  }
0x86: {  	[sflag:s10] =	ssyncadd.s32 $0xFFFFC180  }
0x87: {  	[hbm4b:s20+s2] =	stream.linear.scatter [tilespmem:s5], [sflag:$0x4], $0x3E80, $0x38;
	[tilespmem:$0x7D00] =	vst v63  }
0x88: {  	_ =	swait.ge [sflag:s11], $0x3E80  }
0x89: {  	[sflag:s11] =	ssyncset.done $0x0  }
0x8a: {  	[sflag:s11] =	ssyncadd.s32 $0xFFFFC180  }
0x8b: {  	[tilespmem:s5], [sflag:$0x2] =	stream.linear.gather [hbm4b:s21+s2], $0x3E80, $0x38;
	[tilespmem:$0x7D00] =	vst v63  }
0x8c: {  	_ =	swait.ge [sflag:s6], $0x3E80  }
0x8d: {  	[sflag:s6] =	ssyncset.done $0x0  }
0x8e: {  	[sflag:s6] =	ssyncadd.s32 $0xFFFFC180  }
0x8f: {  	[hbm4b:s22+s2] =	stream.linear.scatter [tilespmem:s2], [sflag:$0x3], $0x3E80, $0x38;
	[tilespmem:$0x7D00] =	vst v63  }
0x90: {  	_ =	swait.ge [sflag:s8], $0x3E80  }
0x91: {  	[sflag:s8] =	ssyncset.done $0x0  }
0x92: {  	[sflag:s8] =	ssyncadd.s32 $0xFFFFC180  }
0x93: {  	[tilespmem:s2], [sflag:$0x1] =	stream.linear.gather [hbm4b:s23+s2], $0x3E80, $0x38;
	[tilespmem:$0x7D00] =	vst v63  }
0x94: {  	_ =	swait.ge [sflag:s10], $0x3E80  }
0x95: {  	[sflag:s10] =	ssyncset.done $0x0  }
0x96: {  	[sflag:s10] =	ssyncadd.s32 $0xFFFFC180  }
0x97: {  	[hbm4b:s24+s2] =	stream.linear.scatter [tilespmem:s5], [sflag:$0x4], $0x3E80, $0x38;
	[tilespmem:$0x7D00] =	vst v63  }
0x98: {  	_ =	swait.ge [sflag:s11], $0x3E80  }
0x99: {  	[sflag:s11] =	ssyncset.done $0x0  }
0x9a: {  	[sflag:s11] =	ssyncadd.s32 $0xFFFFC180  }
0x9b: {  	[tilespmem:s5], [sflag:$0x2] =	stream.linear.gather [hbm4b:s25+s2], $0x3E80, $0x38;
	[tilespmem:$0x7D00] =	vst v63  }
0x9c: {  	_ =	swait.ge [sflag:s6], $0x3E80  }
0x9d: {  	[sflag:s6] =	ssyncset.done $0x0  }
0x9e: {  	[sflag:s6] =	ssyncadd.s32 $0xFFFFC180  }
0x9f: {  	[hbm4b:s26+s2] =	stream.linear.scatter [tilespmem:s2], [sflag:$0x3], $0x3E80, $0x38;
	[tilespmem:$0x7D00] =	vst v63  }
0xa0: {  	_ =	swait.ge [sflag:s10], $0x3E80  }
0xa1: {  	[sflag:s10] =	ssyncset.done $0x0  }
0xa2: {  	[sflag:s10] =	ssyncadd.s32 $0xFFFFC180  }
0xa3: {  	[hbm4b:s28+s2] =	stream.linear.scatter [tilespmem:s5], [sflag:$0x4], $0x3E80, $0x38;
	[tilespmem:$0x7D00] =	vst v63  }
.Ltmp1:
0xa4: {  	_ =	swait.ge [sflag:s8], $0x3E80;
	(pc) =	sbr.rel @p0 .LBB2_1-.Ltmp1, $4  }
0xa5: {  	[sflag:s8] =	ssyncset.done $0x0  }
0xa6: {  	[sflag:s8] =	ssyncadd.s32 $0xFFFFC180  }
0xa7: {  	_ =	swait.ge [sflag:s11], $0x3E80  }
0xa8: {  	[sflag:s11] =	ssyncset.done $0x0  }
.LBB2_2:
0xa9: {  	[sflag:s11] =	ssyncadd.s32 $0xFFFFC180  }
0xaa: {  	_ =	sfence.sel $0x180000  }
0xab: {  	[bflag:$0x0] =	sbarrier.arrive $0xFFFF  }
0xac: {  	p0 =	sne.s32 s0, $0x0;
	_ =	strace $0x90000047  }
0xad: {  	s0 =	sadd.s32 @!p0 $0x100000, s1;
	[bflag:$0x2] =	sbarrier.arrive $0xFFFF  }
0xae: {  	[sflag:s0] =	ssyncadd.tile.s32 @!p0 $0x1;
	_ =	shalt  }
.Lfunc_end2:
_tile_overlayer_lowered:
.L_overlay_start_2:
0xaf: {  	(tag) =	ssettag $0x2  }
0xb0: {  	s0 =	rddreg [dreg:$0x0];
	s2 =	stileid.u32  }
0xb1: {  	s1 =	rddreg [dreg:$0x1];
	p0 =	sne.s32 s2, $0x0  }
0xb2: {  	s3 =	rddreg [dreg:$0x2];
	[bflag:$0x3] =	sbarrier.arrive $0xFFFF;
	s2 =	simm.s32 @!p0 $0x1C05  }
0xb3: {  	[timem:s3], [sflag:s2] =	dma.local @!p0 [hbm:s0], s1  }
0xb4: {  	s0 =	simm.s32 @!p0 $0x5  }
0xb5: {  	_ =	swait.ge @!p0 [sflag:s0], s1  }
0xb6: {  	s1 =	ssub.s32 @!p0 $0x0, s1;
	[sflag:s0] =	ssyncset.done @!p0 $0x0  }
0xb7: {  	[sflag:s0] =	ssyncadd.s32 @!p0 s1  }
0xb8: {  	[bflag:$0x3] =	sbarrier.arrive $0xFFFF  }
0xb9: {  	_ =	shalt  }

</sc_bundles>
